<compile_context>
chip_gen: v7x
topology: tpu7x:2x2x1
jax: 0.10.2.dev20260603
libtpu: 0.0.44.dev20260713+nightly
codegen_flags: <defaults>
</compile_context>

<pallas_src>
import functools

import jax
import jax.numpy as jnp
from jax import lax
from jax.experimental import pallas as pl
from jax.experimental.pallas import tpu as pltpu
from jax.experimental.pallas import tpu_sc as plsc

N_ROWS = 16384
N_COLS = 5
L = 16

_NEG_INF = float("-inf")


def _tc_scores_body(xt_ref, w_ref, b_ref, out_ref):
    colsum_t = jnp.sum(xt_ref[...], axis=1, keepdims=True)
    wt = jnp.transpose(w_ref[...])
    scores = jnp.sum(wt * colsum_t, axis=0, keepdims=True)
    scores = scores + jnp.float32(N_ROWS) * b_ref[...]
    out_ref[...] = jnp.concatenate(
        [scores, jnp.full((1, L - N_COLS), _NEG_INF, jnp.float32)],
        axis=1).reshape(L)


_tc_scores = pl.pallas_call(
    _tc_scores_body,
    in_specs=[
        pl.BlockSpec((N_COLS, N_ROWS), lambda: (0, 0)),
        pl.BlockSpec((N_COLS, N_COLS), lambda: (0, 0)),
        pl.BlockSpec((1, N_COLS), lambda: (0, 0)),
    ],
    out_specs=pl.BlockSpec((L,), lambda: (0,)),
    out_shape=jax.ShapeDtypeStruct((L,), jnp.float32),
)

_mesh = plsc.VectorSubcoreMesh(core_axis_name="c", subcore_axis_name="s",
                               num_cores=1, num_subcores=1)


@functools.partial(
    pl.kernel,
    mesh=_mesh,
    compiler_params=pltpu.CompilerParams(needs_layout_passes=False),
    out_type=[
        jax.ShapeDtypeStruct((4,), jnp.float32),
        jax.ShapeDtypeStruct((4,), jnp.int32),
    ],
    scratch_types=[
        pltpu.VMEM((L,), jnp.float32),
        pltpu.VMEM((L,), jnp.float32),
        pltpu.VMEM((L,), jnp.int32),
        pltpu.SemaphoreType.DMA,
        pltpu.SemaphoreType.DMA,
    ],
)
def _sc_top4(scores_hbm, vals_hbm, idx_hbm, sv, ov, oi, sem_v, sem_i):
    pltpu.sync_copy(scores_hbm, sv)
    lanes = lax.iota(jnp.int32, L)
    skeys, svals = plsc.sort_key_val(sv[...], lanes, descending=True)
    ov[...] = skeys
    oi[...] = svals
    cp_v = pltpu.async_copy(ov.at[pl.ds(0, 4)], vals_hbm, sem_v)
    cp_i = pltpu.async_copy(oi.at[pl.ds(0, 4)], idx_hbm, sem_i)
    cp_v.wait()
    cp_i.wait()


def kernel(in_values, weight, bias, topk):
    del topk
    scores16 = _tc_scores(in_values.T, weight, bias.reshape(1, N_COLS))
    values, indices = _sc_top4(scores16)
    return values, indices

# --- scband reference (transcript-rebuilt; emitter-appended) ---
"""Pipeline reference for scband-test-fcnmodel-11879879542102 (READ-ONLY COPY).

The authoritative reference and input builder live on the scoring server;
editing this copy changes nothing except your own understanding.
"""

import jax, jax.numpy as jnp
import numpy as np

N_CLASSES = 5
STATIC_WEIGHTS = np.array([[0, 0.8, 0.7, 0.6, 0.4], [0.8, 0, 0, 0, 0.6], [0.8, 0, 0, 0.4, 0], [0.8, 0, 0.7, 0, 0.4], [0.8, 0.7, 0, 0.6, 0]], dtype=np.float32)

def setup_inputs(seed: int = 0) -> dict:
    key = jax.random.key(seed)
    k1, = jax.random.split(key, 1)
    in_values = jax.random.normal(k1, (16384, N_CLASSES), dtype=jnp.float32)
    # torch Linear: weight.data = static_weights.T, bias = 0
    weight = jnp.asarray(STATIC_WEIGHTS.T)  # shape [out=5, in=5]
    bias = jnp.zeros((N_CLASSES,), dtype=jnp.float32)
    return {"in_values": in_values, "weight": weight, "bias": bias, "topk": 4}

def reference(in_values, weight, bias, topk):
    # torch Linear: y = x @ W.T + b
    y = in_values @ weight.T + bias
    scores = jnp.sum(y, axis=0)
    k_static = 4
    values, indices = jax.lax.top_k(scores, k_static)
    indices = indices + jnp.asarray(topk - k_static, dtype=indices.dtype)
    return (values, indices)

if __name__ == "__main__":
    import jax
    _d = setup_inputs()
    print(jax.jit(kernel)(*tuple(_d.values())))

</pallas_src>

<mosaic_0001>
#map = affine_map<(d0, d1) -> (0)>
module attributes {stable_mosaic.version = 14 : i64} {
  func.func @_sc_top4(%arg0: i32, %arg1: i32, %arg2: memref<16xf32, #tpu.memory_space<hbm>>, %arg3: memref<4xf32, #tpu.memory_space<hbm>>, %arg4: memref<4xi32, #tpu.memory_space<hbm>>, %arg5: memref<16xf32, #tpu.memory_space<vmem>>, %arg6: memref<16xf32, #tpu.memory_space<vmem>>, %arg7: memref<16xi32, #tpu.memory_space<vmem>>, %arg8: memref<!tpu.dma_semaphore, #tpu.memory_space<semaphore_mem>>, %arg9: memref<!tpu.dma_semaphore, #tpu.memory_space<semaphore_mem>>) attributes {dimension_semantics = [#tpu.dimension_semantics<core_parallel>, #tpu.dimension_semantics<subcore_parallel>], iteration_bounds = array<i64: 1, 1>, scalar_prefetch = 0 : i64, scratch_operands = 5 : i64, tpu.core_type = #tpu.core_type<sc_vector_subcore>, window_params = [{transform_indices = #map}, {transform_indices = #map}, {transform_indices = #map}]} {
    "tpu.region"() ({
      %run_scoped3A = tpu.sem_alloc : memref<!tpu.dma_semaphore, #tpu.memory_space<semaphore_mem>>
      tpu.enqueue_dma source(%arg2 : memref<16xf32, #tpu.memory_space<hbm>>) target(%arg5 : memref<16xf32, #tpu.memory_space<vmem>>) target_semaphore(%run_scoped3A : memref<!tpu.dma_semaphore, #tpu.memory_space<semaphore_mem>>)
      tpu.wait_dma2 semaphore(%run_scoped3A : memref<!tpu.dma_semaphore, #tpu.memory_space<semaphore_mem>>) src(%arg2 : memref<16xf32, #tpu.memory_space<hbm>>) dst(%arg5 : memref<16xf32, #tpu.memory_space<vmem>>)
      tpu.yield
    }) : () -> ()
    %iota3A = tpu.iota {dimensions = array<i32: 0>} : vector<16xi32>
    %get3A = arith.constant 0 : index
    %get3A_0 = tpu.vector_load %arg5[%get3A] {strides = array<i32>} : memref<16xf32, #tpu.memory_space<vmem>>, vector<16xf32>,
    %masked_sort3A = arith.constant dense<true> : vector<16xi1>
    %masked_sort3A_1, %masked_sort3A_2, %masked_sort3A_3 = tpu.sort %get3A_0, %iota3A masked %masked_sort3A {descending = true} : (vector<16xf32>, vector<16xi32>, vector<16xi1>) -> (vector<16xi1>, vector<16xf32>, vector<16xi32>)
    %swap3A = arith.constant 0 : index
    %swap3A_4 = tpu.vector_load %arg6[%swap3A] {strides = array<i32>} : memref<16xf32, #tpu.memory_space<vmem>>, vector<16xf32>,
    tpu.vector_store %arg6[%swap3A], %masked_sort3A_2 {strides = array<i32>} : memref<16xf32, #tpu.memory_space<vmem>>, vector<16xf32>,
    %swap3A_5 = arith.constant 0 : index
    %swap3A_6 = tpu.vector_load %arg7[%swap3A_5] {strides = array<i32>} : memref<16xi32, #tpu.memory_space<vmem>>, vector<16xi32>,
    tpu.vector_store %arg7[%swap3A_5], %masked_sort3A_3 {strides = array<i32>} : memref<16xi32, #tpu.memory_space<vmem>>, vector<16xi32>,
    %dma_start3A = arith.constant 0 : i32
    %dma_start3A_7 = tpu.memref_slice %arg6[%dma_start3A] : memref<16xf32, #tpu.memory_space<vmem>> -> memref<4xf32, #tpu.memory_space<vmem>>
    %dma_start3A_8 = arith.constant 0 : i32
    %dma_start3A_9 = tpu.memref_slice %arg6[%dma_start3A_8] : memref<16xf32, #tpu.memory_space<vmem>> -> memref<4xf32, #tpu.memory_space<vmem>>
    tpu.enqueue_dma source(%dma_start3A_9 : memref<4xf32, #tpu.memory_space<vmem>>) target(%arg3 : memref<4xf32, #tpu.memory_space<hbm>>) target_semaphore(%arg8 : memref<!tpu.dma_semaphore, #tpu.memory_space<semaphore_mem>>)
    %dma_start3A_10 = arith.constant 0 : i32
    %dma_start3A_11 = tpu.memref_slice %arg7[%dma_start3A_10] : memref<16xi32, #tpu.memory_space<vmem>> -> memref<4xi32, #tpu.memory_space<vmem>>
    %dma_start3A_12 = arith.constant 0 : i32
    %dma_start3A_13 = tpu.memref_slice %arg7[%dma_start3A_12] : memref<16xi32, #tpu.memory_space<vmem>> -> memref<4xi32, #tpu.memory_space<vmem>>
    tpu.enqueue_dma source(%dma_start3A_13 : memref<4xi32, #tpu.memory_space<vmem>>) target(%arg4 : memref<4xi32, #tpu.memory_space<hbm>>) target_semaphore(%arg9 : memref<!tpu.dma_semaphore, #tpu.memory_space<semaphore_mem>>)
    %dma_wait3A = arith.constant 0 : i32
    %dma_wait3A_14 = tpu.memref_slice %arg6[%dma_wait3A] : memref<16xf32, #tpu.memory_space<vmem>> -> memref<4xf32, #tpu.memory_space<vmem>>
    %dma_wait3A_15 = arith.constant 0 : i32
    %dma_wait3A_16 = tpu.memref_slice %arg6[%dma_wait3A_15] : memref<16xf32, #tpu.memory_space<vmem>> -> memref<4xf32, #tpu.memory_space<vmem>>
    tpu.wait_dma2 semaphore(%arg8 : memref<!tpu.dma_semaphore, #tpu.memory_space<semaphore_mem>>) src(%dma_wait3A_16 : memref<4xf32, #tpu.memory_space<vmem>>) dst(%arg3 : memref<4xf32, #tpu.memory_space<hbm>>)
    %dma_wait3A_17 = arith.constant 0 : i32
    %dma_wait3A_18 = tpu.memref_slice %arg7[%dma_wait3A_17] : memref<16xi32, #tpu.memory_space<vmem>> -> memref<4xi32, #tpu.memory_space<vmem>>
    %dma_wait3A_19 = arith.constant 0 : i32
    %dma_wait3A_20 = tpu.memref_slice %arg7[%dma_wait3A_19] : memref<16xi32, #tpu.memory_space<vmem>> -> memref<4xi32, #tpu.memory_space<vmem>>
    tpu.wait_dma2 semaphore(%arg9 : memref<!tpu.dma_semaphore, #tpu.memory_space<semaphore_mem>>) src(%dma_wait3A_20 : memref<4xi32, #tpu.memory_space<vmem>>) dst(%arg4 : memref<4xi32, #tpu.memory_space<hbm>>)
    return
  }
}

module attributes {stable_mosaic.version = 14 : i64} {
  func.func @_tc_scores_body(%arg0: memref<5x16384xf32, #tpu.memory_space<vmem>>, %arg1: memref<5x5xf32, #tpu.memory_space<vmem>>, %arg2: memref<1x5xf32, #tpu.memory_space<vmem>>, %arg3: memref<16xf32, #tpu.memory_space<vmem>>) attributes {dimension_semantics = [], scalar_prefetch = 0 : i64, scratch_operands = 0 : i64, tpu.core_type = #tpu.core_type<tc>} {
    %get3A = arith.constant 0 : index
    %get3A_0 = arith.constant 0 : index
    %get3A_1 = vector.load %arg0[%get3A, %get3A_0] : memref<5x16384xf32, #tpu.memory_space<vmem>>, vector<5x16384xf32>
    %reduce_sum3A = arith.constant dense<0.000000e+00> : vector<5xf32>
    %reduce_sum3A_2 = vector.multi_reduction <add>, %get3A_1, %reduce_sum3A [1] : vector<5x16384xf32> to vector<5xf32>
    %broadcast_in_dim3A = vector.shape_cast %reduce_sum3A_2 : vector<5xf32> to vector<5x1xf32>
    %get3A_3 = arith.constant 0 : index
    %get3A_4 = arith.constant 0 : index
    %get3A_5 = vector.load %arg1[%get3A_3, %get3A_4] : memref<5x5xf32, #tpu.memory_space<vmem>>, vector<5x5xf32>
    %transpose3A = tpu.transpose %get3A_5, [1, 0] : vector<5x5xf32> -> vector<5x5xf32>
    %mul3A = vector.broadcast %broadcast_in_dim3A : vector<5x1xf32> to vector<5x5xf32>
    %mul3A_6 = arith.mulf %transpose3A, %mul3A : vector<5x5xf32>
    %reduce_sum3A_7 = arith.constant dense<0.000000e+00> : vector<5xf32>
    %reduce_sum3A_8 = vector.multi_reduction <add>, %mul3A_6, %reduce_sum3A_7 [0] : vector<5x5xf32> to vector<5xf32>
    %broadcast_in_dim3A_9 = vector.shape_cast %reduce_sum3A_8 : vector<5xf32> to vector<1x5xf32>
    %get3A_10 = arith.constant 0 : index
    %get3A_11 = arith.constant 0 : index
    %get3A_12 = vector.load %arg2[%get3A_10, %get3A_11] : memref<1x5xf32, #tpu.memory_space<vmem>>, vector<1x5xf32>
    %mul3A_13 = arith.constant 1.638400e+04 : f32
    %mul3A_14 = vector.broadcast %mul3A_13 : f32 to vector<1x5xf32>
    %mul3A_15 = arith.mulf %mul3A_14, %get3A_12 : vector<1x5xf32>
    %add3A = arith.addf %broadcast_in_dim3A_9, %mul3A_15 : vector<1x5xf32>
    %broadcast_in_dim3A_16 = arith.constant 0xFF800000 : f32
    %broadcast_in_dim3A_17 = vector.broadcast %broadcast_in_dim3A_16 : f32 to vector<1x11xf32>
    %concatenate3A = tpu.concatenate %add3A, %broadcast_in_dim3A_17 in 1 : vector<1x5xf32>, vector<1x11xf32> -> vector<1x16xf32>
    %reshape3A = vector.shape_cast %concatenate3A : vector<1x16xf32> to vector<16xf32>
    %swap3A = arith.constant 0 : index
    %swap3A_18 = vector.load %arg3[%swap3A] : memref<16xf32, #tpu.memory_space<vmem>>, vector<16xf32>
    tpu.vector_store %arg3[%swap3A], %reshape3A {strides = array<i32>} : memref<16xf32, #tpu.memory_space<vmem>>, vector<16xf32>,
    return
  }
}

</mosaic_0001>

<sc_bundles>
// kernel: kernel.4.cloned.1.call-start
scs
__scs_entry_jumppad:
0x0: {  	(pc) =	sbr.rel $0x88, $3  }
0x1: {  	(tag) =	ssettag $0x0;
	lr =	simm.s32 $0x1  }
0x2: {  	[smem:$0x3F9E] =	sst lr;
	_ =	strace $0xD0000000  }
0x3: {  	_ = 	snop  }
0x4: {  	_ = 	snop  }
0x5: {  	_ = 	snop  }
0x6: {  	_ = 	snop  }
0x7: {  	_ = 	snop  }
__scs_overlays_trampoline_lowered:
0x8: {  	[smem:$0x3FAD] =	sst s0  }
0x9: {  	[smem:$0x3FAE] =	sst s1  }
0xa: {  	[smem:$0x3FAF] =	sst s2  }
0xb: {  	[smem:$0x3FB0] =	sst s3  }
0xc: {  	[smem:$0x3FB1] =	sst s4  }
0xd: {  	[smem:$0x3FB2] =	sst s5  }
0xe: {  	[smem:$0x3FB3] =	sst s6  }
0xf: {  	[smem:$0x3FB4] =	sst s7  }
0x10: {  	[smem:$0x3FB5] =	sst s8  }
0x11: {  	[smem:$0x3FB6] =	sst s9;
	s0 =	simm.s32 @!p0 $0x0  }
0x12: {  	s1 =	sld [smem:$0x3F9C];
	s0 =	simm.s32 @p0 $0x1  }
0x13: {  	[smem:$0x3FB7] =	sst s0;
	s0 =	simm.s32 @!p1 $0x0  }
0x14: {  	s2 =	sld [smem:$0x3F9B];
	s0 =	simm.s32 @p1 $0x1  }
0x15: {  	[smem:$0x3FB8] =	sst s0;
	s0 =	simm.s32 @!p2 $0x0  }
0x16: {  	s3 =	sld [smem:$0x3FDB];
	s0 =	simm.s32 @p2 $0x1  }
0x17: {  	s4 =	simm.s32 $0x1BF5;
	[smem:$0x3FBA] =	sst s0  }
0x18: {  	s0 =	sld [smem:$0x3F9D];
	_ =	swait.ge [sflag:s4], $0x0  }
0x19: {  	s7 =	sld [smem:$0x3F9E]  }
0x1a: {  	s8 =	sadd.s32 $0xFFFFE003, lr  }
0x1b: {  	s9 =	sadd.s32 $0xFFFFFEF7, lr;
	s5 =	simm.s32 $0xFFFFFFFF;
	p2 =	slt.u32 s8, $0xFFFFF086  }
0x1c: {  	p1 =	slt.u32 s9, $0xF7A;
	s5 =	simm.s32 @!p2 $0x0  }
0x1d: {  	s5 =	simm.s32 @p1 $0x1;
	p0 =	seq.s32 s7, s2  }
0x1e: {  	s7 =	smul.u32 @!p0 $0xF7A, s2;
	p2 =	seq.s32 @!p0 s5, $0x0  }
0x1f: {  	s9 =	smul.u32 $0xF7A, s1;
	s8 =	simm.s32 @!p0 $0x1BF5;
	p2 =	por !p2, p0  }
0x20: {  	[sflag:s8] =	ssyncset.s32 @!p0 $0xFFFFF086;
	s6 =	sadd.s32 @!p0 s3, s7;
	s7 =	simm.s32 @!p0 $0x108  }
0x21: {  	s3 =	sadd.s32 s3, s9;
	s6 =	sadd.s32 @!p0 $0x88, s6;
	s7 =	simm.s32 @p2 $0x1082  }
0x22: {  	[simem:s7], [sflag:s8] =	dma.local @!p0 [hbm:s6], $0xF7A  }
0x23: {  	s9 =	sor.u32 $0xD0000000, s2;
	s6 =	simm.s32 $0x108;
	_ =	swait.ge @!p0 [sflag:s8], $0x0  }
0x24: {  	s3 =	sadd.s32 $0x88, s3;
	s6 =	simm.s32 @!p1 $0x1082;
	[sflag:s4] =	ssyncset.s32 $0xFFFFF086  }
0x25: {  	[simem:s6], [sflag:s4] =	dma.local [hbm:s3], $0xF7A  }
0x26: {  	[smem:$0x3F9E] =	sst s1;
	(tag) =	ssettag s2;
	_ =	strace s9  }
0x27: {  	s1 =	sld [smem:$0x3FAE]  }
0x28: {  	s2 =	sld [smem:$0x3FAF]  }
0x29: {  	s4 =	sld [smem:$0x3FB1]  }
0x2a: {  	p0 =	seq.s32 s5, $0x0;
	s5 =	sld [smem:$0x3FB2]  }
0x2b: {  	s6 =	sld [smem:$0x3FB3]  }
0x2c: {  	s7 =	sld [smem:$0x3FB4]  }
0x2d: {  	s3 =	simm.s32 $0x108;
	s8 =	sld [smem:$0x3FB5]  }
0x2e: {  	s3 =	simm.s32 @!p0 $0x1082;
	s9 =	sld [smem:$0x3FB6]  }
0x2f: {  	lr =	sadd.s32 s0, s3;
	s0 =	sld [smem:$0x3FAD]  }
0x30: {  	s3 =	sld [smem:$0x3FB0]  }
0x31: {  	[smem:$0x3FB9] =	sst s10  }
0x32: {  	s10 =	sld [smem:$0x3FB7];
	_ =	sdelay $0x3  }
0x33: {  	p0 =	seq.s32 s10, $0x1;
	s10 =	sld [smem:$0x3FB9];
	_ =	sdelay $0x3  }
0x34: {  	[smem:$0x3FB9] =	sst s10  }
0x35: {  	s10 =	sld [smem:$0x3FB8];
	_ =	sdelay $0x3  }
0x36: {  	p1 =	seq.s32 s10, $0x1;
	s10 =	sld [smem:$0x3FB9];
	_ =	sdelay $0x3  }
0x37: {  	[smem:$0x3FB9] =	sst s10  }
0x38: {  	s10 =	sld [smem:$0x3FBA]  }
0x39: {  	_ = 	snop;
	(pc) =	sbr.ind lr, $3  }
0x3a: {  	_ = 	snop  }
0x3b: {  	_ = 	snop  }
0x3c: {  	p2 =	seq.s32 s10, $0x1;
	s10 =	sld [smem:$0x3FB9]  }
0x3d: {  	_ =	shalt  }
0x3e: {  	_ =	shalt  }
0x3f: {  	_ =	shalt  }
0x40: {  	_ =	shalt  }
0x41: {  	_ =	shalt  }
0x42: {  	_ =	shalt  }
0x43: {  	_ =	shalt  }
0x44: {  	_ =	shalt  }
0x45: {  	_ =	shalt  }
0x46: {  	_ =	shalt  }
0x47: {  	_ =	shalt  }
0x48: {  	_ =	shalt  }
0x49: {  	_ =	shalt  }
0x4a: {  	_ =	shalt  }
0x4b: {  	_ =	shalt  }
0x4c: {  	_ =	shalt  }
0x4d: {  	_ =	shalt  }
0x4e: {  	_ =	shalt  }
0x4f: {  	_ =	shalt  }
0x50: {  	_ =	shalt  }
0x51: {  	_ =	shalt  }
0x52: {  	_ =	shalt  }
0x53: {  	_ =	shalt  }
0x54: {  	_ =	shalt  }
0x55: {  	_ =	shalt  }
0x56: {  	_ =	shalt  }
0x57: {  	_ =	shalt  }
0x58: {  	_ =	shalt  }
0x59: {  	_ =	shalt  }
0x5a: {  	_ =	shalt  }
0x5b: {  	_ =	shalt  }
0x5c: {  	_ =	shalt  }
0x5d: {  	_ =	shalt  }
0x5e: {  	_ =	shalt  }
0x5f: {  	_ =	shalt  }
0x60: {  	_ =	shalt  }
0x61: {  	_ =	shalt  }
0x62: {  	_ =	shalt  }
0x63: {  	_ =	shalt  }
0x64: {  	_ =	shalt  }
0x65: {  	_ =	shalt  }
0x66: {  	_ =	shalt  }
0x67: {  	_ =	shalt  }
0x68: {  	_ =	shalt  }
0x69: {  	_ =	shalt  }
0x6a: {  	_ =	shalt  }
0x6b: {  	_ =	shalt  }
0x6c: {  	_ =	shalt  }
0x6d: {  	_ =	shalt  }
0x6e: {  	_ =	shalt  }
0x6f: {  	_ =	shalt  }
0x70: {  	_ =	shalt  }
0x71: {  	_ =	shalt  }
0x72: {  	_ =	shalt  }
0x73: {  	_ =	shalt  }
0x74: {  	_ =	shalt  }
0x75: {  	_ =	shalt  }
0x76: {  	_ =	shalt  }
0x77: {  	_ =	shalt  }
0x78: {  	_ =	shalt  }
0x79: {  	_ =	shalt  }
0x7a: {  	_ =	shalt  }
0x7b: {  	_ =	shalt  }
0x7c: {  	_ =	shalt  }
0x7d: {  	_ =	shalt  }
0x7e: {  	_ =	shalt  }
0x7f: {  	_ =	shalt  }
0x80: {  	_ =	shalt  }
0x81: {  	_ =	shalt  }
0x82: {  	_ =	shalt  }
0x83: {  	_ =	shalt  }
0x84: {  	_ =	shalt  }
0x85: {  	_ =	shalt  }
0x86: {  	_ =	shalt  }
0x87: {  	_ =	shalt  }
.Lfunc_end0:
.L_simem_size_0:
called_computation_lowered:
.L_overlay_start_0:
0x88: {  	s0 =	sld [smem:$0x3FD9]  }
0x89: {  	s1 =	sld [smem:$0x3FFE];
	_ =	sdelay $0x3  }
0x8a: {  	s0 =	sadd.s32 s1, s0  }
0x8b: {  	[smem:$0x3FC5] =	sst s0  }
0x8c: {  	_ = 	snop  }
0x8d: {  	s0 =	sld [smem:$0x3FD0];
	_ =	sdelay $0x2  }
0x8e: {  	s13 =	simm.s32 $0xA;
	s2 =	simm.s32 $0x10  }
0x8f: {  	[smem:s2], [sflag:s13] =	dma.local [hbm:s0], $0x1  }
0x90: {  	_ =	swait.eq [sflag:s13], $0x1  }
0x91: {  	[sflag:s13] =	ssyncset.done $0x0  }
0x92: {  	s14 =	sld [smem:$0x10];
	[sflag:s13] =	ssyncadd.s32 $0xFFFFFFFF  }
0x93: {  	s15 =	sld [smem:$0x11];
	(tm) =	ssettm $0x1  }
0x94: {  	s16 =	sld [smem:$0x3FFB];
	_ =	sdelay $0x3  }
0x95: {  	_ =	strace s16  }
0x96: {  	s2 =	sld [smem:$0x3FFC];
	_ =	sdelay $0x3  }
0x97: {  	_ =	strace s2  }
0x98: {  	s2 =	sld [smem:$0x3FFD];
	_ =	sdelay $0x3  }
0x99: {  	_ =	strace s2  }
0x9a: {  	_ =	strace $0x8FFFFFFF  }
0x9b: {  	s17 =	sld [smem:$0x3FDB];
	_ =	sdelay $0x1  }
0x9c: {  	s3 =	simm.s32 $_scs_section_size  }
0x9d: {  	s4 =	simm.s32 $_size__tile_overlayer_lowered;
	s5 =	simm.s32 $_tile_overlayer_lowered  }
0x9e: {  	s20 =	simm.s32 $0x1BFF;
	s19 =	sshll.u32 s5, $0x1;
	s2 =	sadd.s32 s3, s17  }
0x9f: {  	s6 =	simm.s32 $0x0;
	s18 =	sshll.u32 s4, $0x1;
	s4 =	sadd.s32 s19, s2  }
0xa0: {  	[timem:s6], [sflag:s20] =	dma.local [hbm:s4], s18  }
0xa1: {  	_ =	swait.ge [sflag:s20], s18  }
0xa2: {  	s3 =	ssub.s32 $0x0, s18;
	[sflag:s20] =	ssyncset.done $0x0  }
0xa3: {  	[sflag:s20] =	ssyncadd.s32 s3;
	_ =	sdelay $0x1  }
0xa4: {  	s21 =	simm.s32 $0x1B8B  }
0xa5: {  	_ =	swait.ge [sflag:s21], $0x1  }
0xa6: {  	[sflag:s21] =	ssyncset.done $0x0  }
0xa7: {  	s23 =	simm.s32 $0x1B8E;
	s22 =	sld [smem:$0x3FFE];
	[sflag:s21] =	ssyncadd.s32 $0xFFFFFFFF  }
0xa8: {  	s24 =	simm.s32 $execute0_lowered;
	[smem:$0x3FD2] =	sst s23  }
0xa9: {  	s4 =	sshll.u32 s24, $0x1;
	_ =	strace $0x80000046;
	[dreg:$0x1] =	wrdreg $0xFFFFFFFF  }
0xaa: {  	s25 =	simm.s32 $_size_execute0_lowered;
	s2 =	sadd.s32 s2, s4;
	[dreg:$0x0] =	wrdreg $0x0  }
0xab: {  	s4 =	sshll.u32 s25, $0x1;
	[dreg:$0x2] =	wrdreg s2  }
0xac: {  	[dreg:$0x3] =	wrdreg s4  }
0xad: {  	[dreg:$0x4] =	wrdreg $0xC0  }
0xae: {  	_ =	task [dreg:s6], $0x5FFFF  }
0xaf: {  	[dreg:$0x1] =	wrdreg $0xFFFFFFFF  }
0xb0: {  	[dreg:$0x0] =	wrdreg $0x60  }
0xb1: {  	[dreg:$0x2] =	wrdreg s22  }
0xb2: {  	[dreg:$0x3] =	wrdreg s14  }
0xb3: {  	[dreg:$0x4] =	wrdreg s15  }
0xb4: {  	[dreg:$0x5] =	wrdreg $0x9  }
0xb5: {  	_ =	task.clear_ibuf [dreg:s6], $0x6FFFF;
	_ =	strace $0x90000046  }
0xb6: {  	s26 =	simm.s32 $0x9;
	_ =	strace $0x80000048  }
0xb7: {  	_ =	swait.ge [sflag:s26], $0x1  }
0xb8: {  	[sflag:s26] =	ssyncadd.s32 $0xFFFFFFFF  }
0xb9: {  	_ =	strace $0x90000048  }
0xba: {  	_ =	sfence  }
0xbb: {  	s28 =	sld [smem:$0x0];
	_ =	sdelay $0x1  }
0xbc: {  	s29 =	srdreg.scid  }
0xbd: {  	s30 =	sshll.u32 s29, $0xD;
	s31 =	sshrl.u32 s29, $0x2  }
0xbe: {  	s1 =	sand.u32 $0x1, s29;
	s2 =	sand.u32 $0x4000, s30;
	s0 =	sadd.s32 s31, s28  }
0xbf: {  	s1 =	sor.u32 s2, s1;
	s0 =	sshll.u32 s0, $0x11  }
0xc0: {  	s0 =	sor.u32 s0, s1  }
0xc1: {  	s0 =	sadd.s32 $0x8F2B, s0  }
0xc2: {  	[sflag:s0] =	ssyncadd.remote.s32 $0x1  }
0xc3: {  	_ =	sfence.sel $0xFFFF  }
0xc4: {  	[dreg:$0x0] =	wrdreg $0xFFFFFFFF;
	(pc) =	sbr.abs _section_cstart, $3  }
0xc5: {  	[dreg:$0x1] =	wrdreg $0xFFFFFFFF  }
0xc6: {  	_ =	task.clear_ibuf [dreg:s6], $0x2FFFF;
	_ =	strace $0x9FFFFFFF  }
0xc7: {  	(tm) =	ssettm $0x7FFFFFFF  }
tec
execute0_lowered:
.L_overlay_start_1:
0x0: {  	(tag) =	ssettag $0x1  }
0x1: {  	s0 =	rddreg [dreg:$0x0]  }
0x2: {  	s1 =	rddreg [dreg:$0x1]  }
0x3: {  	s2 =	rddreg [dreg:$0x2];
	s3 =	stileid.u32  }
0x4: {  	s4 =	rddreg [dreg:$0x3];
	p0 =	sne.s32 s3, $0x0  }
0x5: {  	_ =	strace $0x80000047;
	s0 =	sadd.s32 $0xE00, s0;
	s3 =	simm.s32 @!p0 $0x0  }
0x6: {  	[tilespmem:s3], [sflag:$0x3] =	stream.linear.gather @!p0 [hbm4b:s0+s3], $0x80, $0x38;
	[tilespmem:$0x180] =	vst v63  }
0x7: {  	s0 =	simm.s32 @!p0 $0x3  }
0x8: {  	_ =	swait.ge @!p0 [sflag:s0], $0x80  }
0x9: {  	[sflag:s0] =	ssyncset.done @!p0 $0x0  }
0xa: {  	[sflag:s0] =	ssyncadd.s32 @!p0 $0xFFFFFF80  }
0xb: {  	v0 =	vld @!p0 [tilespmem:$0x0];
	_ =	sdelay $0x3  }
0xc: {  	v1 =	vlaneseq.u32 @!p0  }
0xd: {  	(xrf1) =	vsort.dscd.msk.f32 @!p0 $0xffff, v0, v1;
	_ =	sdelay $0xd  }
0xe: {  	v0, v1, _ =	vpop @!p0 (xrf1)  }
0xf: {  	[tilespmem:$0x80] =	vst @!p0 v0  }
0x10: {  	s0 =	simm.s32 @!p0 $0x80;
	[tilespmem:$0x100] =	vst @!p0 v1  }
0x11: {  	[hbm4b:s1+s3] =	stream.linear.scatter @!p0 [tilespmem:s0], [sflag:$0x1], $0x4, $0x38;
	[tilespmem:$0x180] =	vst v63  }
0x12: {  	s0 =	simm.s32 @!p0 $0x100  }
0x13: {  	[hbm4b:s2+s3] =	stream.linear.scatter @!p0 [tilespmem:s0], [sflag:$0x2], $0x4, $0x38;
	[tilespmem:$0x180] =	vst v63  }
0x14: {  	s0 =	simm.s32 @!p0 $0x1  }
0x15: {  	_ =	swait.ge @!p0 [sflag:s0], $0x4  }
0x16: {  	[sflag:s0] =	ssyncset.done @!p0 $0x0  }
0x17: {  	[sflag:s0] =	ssyncadd.s32 @!p0 $0xFFFFFFFC;
	s0 =	simm.s32 @!p0 $0x2  }
0x18: {  	_ =	swait.ge @!p0 [sflag:s0], $0x4  }
0x19: {  	[sflag:s0] =	ssyncset.done @!p0 $0x0  }
0x1a: {  	[sflag:s0] =	ssyncadd.s32 @!p0 $0xFFFFFFFC  }
0x1b: {  	_ =	sfence.sel $0x180000  }
0x1c: {  	[bflag:$0x0] =	sbarrier.arrive $0xFFFF  }
0x1d: {  	_ =	strace $0x90000047  }
0x1e: {  	s0 =	sadd.s32 @!p0 $0x100000, s4;
	[bflag:$0x2] =	sbarrier.arrive $0xFFFF  }
0x1f: {  	[sflag:s0] =	ssyncadd.tile.s32 @!p0 $0x1;
	_ =	shalt  }
.Lfunc_end2:
_tile_overlayer_lowered:
.L_overlay_start_2:
0x20: {  	(tag) =	ssettag $0x2  }
0x21: {  	s0 =	rddreg [dreg:$0x0];
	s2 =	stileid.u32  }
0x22: {  	s1 =	rddreg [dreg:$0x1];
	p0 =	sne.s32 s2, $0x0  }
0x23: {  	s3 =	rddreg [dreg:$0x2];
	[bflag:$0x3] =	sbarrier.arrive $0xFFFF;
	s2 =	simm.s32 @!p0 $0x1C03  }
0x24: {  	[timem:s3], [sflag:s2] =	dma.local @!p0 [hbm:s0], s1  }
0x25: {  	s0 =	simm.s32 @!p0 $0x3  }
0x26: {  	_ =	swait.ge @!p0 [sflag:s0], s1  }
0x27: {  	s1 =	ssub.s32 @!p0 $0x0, s1;
	[sflag:s0] =	ssyncset.done @!p0 $0x0  }
0x28: {  	[sflag:s0] =	ssyncadd.s32 @!p0 s1  }
0x29: {  	[bflag:$0x3] =	sbarrier.arrive $0xFFFF  }
0x2a: {  	_ =	shalt  }

</sc_bundles>
